<compile_context>
chip_gen: v7x
topology: tpu7x:2x2x1
jax: 0.10.2.dev20260603
libtpu: 0.0.44.dev20260713+nightly
codegen_flags: <defaults>
</compile_context>

<pallas_src>
import jax
import jax.numpy as jnp
from jax import lax
from jax.experimental import pallas as pl
from jax.experimental.pallas import tpu as pltpu
from jax.experimental.pallas import tpu_sc as plsc

L = 16
NC = 2
NS = 16
NW = NC * NS

B, SEQ = 16384, 200
N = B * SEQ
VOCAB, D = 100, 200
KPAD = 112
PER_W = N // NW
CHUNK = 25600
NCHUNK = PER_W // CHUNK


def _lut_gather_body(xf, embt, wbc, out, et_v, wb_v, p_v, idx_v, out_v):
    wid = lax.axis_index("s") * NC + lax.axis_index("c")

    pltpu.sync_copy(embt, et_v)
    pltpu.sync_copy(wbc, wb_v)

    for g in range(KPAD // L):
        def dstep(d, acc):
            return acc + et_v[d, pl.ds(g * L, L)] * wb_v[d, :]
        p_v[pl.ds(g * L, L)] = lax.fori_loop(0, D, dstep, wb_v[D, :])

    for c in range(NCHUNK):
        off = wid * PER_W + c * CHUNK
        pltpu.sync_copy(xf.at[pl.ds(off, CHUNK)], idx_v)

        def gstep(i, carry):
            sl = pl.ds(i * L, L)
            out_v[sl] = plsc.load_gather(p_v, [idx_v[sl]])
            return carry
        lax.fori_loop(0, CHUNK // L, gstep, 0)
        pltpu.sync_copy(out_v, out.at[pl.ds(off, CHUNK)])


def kernel(x, emb, fc_w, fc_b):
    xf = x.reshape(-1)
    embt = jnp.pad(emb.T, ((0, 0), (0, KPAD - VOCAB)))
    wbc = jnp.broadcast_to(
        jnp.concatenate([fc_w.reshape(-1), fc_b])[:, None], (D + 1, L))
    run = pl.kernel(
        _lut_gather_body,
        out_type=jax.ShapeDtypeStruct((N,), jnp.float32),
        mesh=plsc.VectorSubcoreMesh(core_axis_name="c", subcore_axis_name="s"),
        compiler_params=pltpu.CompilerParams(needs_layout_passes=False),
        scratch_types=[
            pltpu.VMEM((D, KPAD), jnp.float32),
            pltpu.VMEM((D + 1, L), jnp.float32),
            pltpu.VMEM((KPAD,), jnp.float32),
            pltpu.VMEM((CHUNK,), jnp.int32),
            pltpu.VMEM((CHUNK,), jnp.float32),
        ],
    )
    return run(xf, embt, wbc).reshape(B, SEQ, 1)

# --- scband reference (transcript-rebuilt; emitter-appended) ---
"""Pipeline reference for scband-my-model-77008763617432 (READ-ONLY COPY).

The authoritative reference and input builder live on the scoring server;
editing this copy changes nothing except your own understanding.
"""

import jax, jax.numpy as jnp
import numpy as np


def setup_inputs(seed: int = 0) -> dict:
    key = jax.random.key(seed)
    k1, k2, k3, k4 = jax.random.split(key, 4)
    x = jax.random.randint(k1, (16384, 200), 0, 100, dtype=jnp.int64 if jax.config.jax_enable_x64 else jnp.int32)
    # learned params: embedding table [100, 200], fc weight [1, 200], fc bias [1]
    emb = jax.random.normal(k2, (100, 200), dtype=jnp.float32)
    fc_w = jax.random.normal(k3, (1, 200), dtype=jnp.float32) * (1.0 / np.sqrt(200.0))
    fc_b = jax.random.normal(k4, (1,), dtype=jnp.float32) * (1.0 / np.sqrt(200.0))
    return {"x": x, "emb": emb, "fc_w": fc_w, "fc_b": fc_b}


def reference(x, emb, fc_w, fc_b):
    # embedding lookup: gather rows of emb by x -> [B, L, 200]
    h = jnp.take(emb, x, axis=0)
    # linear layer: h @ fc_w.T + fc_b -> [B, L, 1]
    out = jnp.matmul(h, fc_w.T) + fc_b
    return out

if __name__ == "__main__":
    import jax
    _d = setup_inputs()
    print(jax.jit(kernel)(*tuple(_d.values())))

</pallas_src>

<mosaic_0001>
#map = affine_map<(d0, d1) -> (0)>
#map1 = affine_map<(d0, d1) -> (0, 0)>
module attributes {stable_mosaic.version = 14 : i64} {
  func.func @_lut_gather_body(%arg0: i32, %arg1: i32, %arg2: memref<3276800xi32, #tpu.memory_space<hbm>>, %arg3: memref<200x112xf32, #tpu.memory_space<hbm>>, %arg4: memref<201x16xf32, #tpu.memory_space<hbm>>, %arg5: memref<3276800xf32, #tpu.memory_space<hbm>>, %arg6: memref<200x112xf32, #tpu.memory_space<vmem>>, %arg7: memref<201x16xf32, #tpu.memory_space<vmem>>, %arg8: memref<112xf32, #tpu.memory_space<vmem>>, %arg9: memref<25600xi32, #tpu.memory_space<vmem>>, %arg10: memref<25600xf32, #tpu.memory_space<vmem>>) attributes {dimension_semantics = [#tpu.dimension_semantics<core_parallel>, #tpu.dimension_semantics<subcore_parallel>], iteration_bounds = array<i64: 2, 16>, scalar_prefetch = 0 : i64, scratch_operands = 5 : i64, tpu.core_type = #tpu.core_type<sc_vector_subcore>, window_params = [{transform_indices = #map}, {transform_indices = #map1}, {transform_indices = #map1}, {transform_indices = #map}]} {
    %mul3A = arith.constant 2 : i32
    %mul3A_0 = arith.muli %arg1, %mul3A : i32
    %add3A = arith.addi %mul3A_0, %arg0 : i32
    "tpu.region"() ({
      %run_scoped3A = tpu.sem_alloc : memref<!tpu.dma_semaphore, #tpu.memory_space<semaphore_mem>>
      tpu.enqueue_dma source(%arg3 : memref<200x112xf32, #tpu.memory_space<hbm>>) target(%arg6 : memref<200x112xf32, #tpu.memory_space<vmem>>) target_semaphore(%run_scoped3A : memref<!tpu.dma_semaphore, #tpu.memory_space<semaphore_mem>>)
      tpu.wait_dma2 semaphore(%run_scoped3A : memref<!tpu.dma_semaphore, #tpu.memory_space<semaphore_mem>>) src(%arg3 : memref<200x112xf32, #tpu.memory_space<hbm>>) dst(%arg6 : memref<200x112xf32, #tpu.memory_space<vmem>>)
      tpu.yield
    }) : () -> ()
    "tpu.region"() ({
      %run_scoped3A = tpu.sem_alloc : memref<!tpu.dma_semaphore, #tpu.memory_space<semaphore_mem>>
      tpu.enqueue_dma source(%arg4 : memref<201x16xf32, #tpu.memory_space<hbm>>) target(%arg7 : memref<201x16xf32, #tpu.memory_space<vmem>>) target_semaphore(%run_scoped3A : memref<!tpu.dma_semaphore, #tpu.memory_space<semaphore_mem>>)
      tpu.wait_dma2 semaphore(%run_scoped3A : memref<!tpu.dma_semaphore, #tpu.memory_space<semaphore_mem>>) src(%arg4 : memref<201x16xf32, #tpu.memory_space<hbm>>) dst(%arg7 : memref<201x16xf32, #tpu.memory_space<vmem>>)
      tpu.yield
    }) : () -> ()
    %get3A = arith.constant 200 : i32
    %get3A_1 = arith.index_cast %get3A : i32 to index
    %get3A_2 = arith.constant 0 : index
    %get3A_3 = tpu.vector_load %arg7[%get3A_1, %get3A_2] {strides = array<i32>} : memref<201x16xf32, #tpu.memory_space<vmem>>, vector<16xf32>,
    %scan3A = arith.constant 0 : i32
    %scan3A_4 = arith.constant 200 : i32
    %scan3A_5 = arith.addi %scan3A, %scan3A_4 : i32
    %scan3A_6 = arith.constant 1 : i32
    %scan3A_7 = scf.for %scan3A_122 = %scan3A to %scan3A_5 step %scan3A_6 iter_args(%scan3A_123 = %get3A_3) -> (vector<16xf32>)  : i32 {
      %get3A_124 = arith.index_cast %scan3A_122 : i32 to index
      %get3A_125 = arith.constant 0 : index
      %get3A_126 = tpu.vector_load %arg6[%get3A_124, %get3A_125] {strides = array<i32>} : memref<200x112xf32, #tpu.memory_space<vmem>>, vector<16xf32>,
      %get3A_127 = arith.index_cast %scan3A_122 : i32 to index
      %get3A_128 = arith.constant 0 : index
      %get3A_129 = tpu.vector_load %arg7[%get3A_127, %get3A_128] {strides = array<i32>} : memref<201x16xf32, #tpu.memory_space<vmem>>, vector<16xf32>,
      %mul3A_130 = arith.mulf %get3A_126, %get3A_129 : vector<16xf32>
      %add3A_131 = arith.addf %scan3A_123, %mul3A_130 : vector<16xf32>
      scf.yield %add3A_131 : vector<16xf32>
    }
    %scan3A_8 = arith.constant 200 : i32
    %swap3A = arith.constant 0 : index
    %swap3A_9 = tpu.vector_load %arg8[%swap3A] {strides = array<i32>} : memref<112xf32, #tpu.memory_space<vmem>>, vector<16xf32>,
    tpu.vector_store %arg8[%swap3A], %scan3A_7 {strides = array<i32>} : memref<112xf32, #tpu.memory_space<vmem>>, vector<16xf32>,
    %get3A_10 = arith.constant 200 : i32
    %get3A_11 = arith.index_cast %get3A_10 : i32 to index
    %get3A_12 = arith.constant 0 : index
    %get3A_13 = tpu.vector_load %arg7[%get3A_11, %get3A_12] {strides = array<i32>} : memref<201x16xf32, #tpu.memory_space<vmem>>, vector<16xf32>,
    %scan3A_14 = arith.constant 0 : i32
    %scan3A_15 = arith.constant 200 : i32
    %scan3A_16 = arith.addi %scan3A_14, %scan3A_15 : i32
    %scan3A_17 = arith.constant 1 : i32
    %scan3A_18 = scf.for %scan3A_122 = %scan3A_14 to %scan3A_16 step %scan3A_17 iter_args(%scan3A_123 = %get3A_13) -> (vector<16xf32>)  : i32 {
      %get3A_124 = arith.index_cast %scan3A_122 : i32 to index
      %get3A_125 = arith.constant 16 : index
      %get3A_126 = tpu.vector_load %arg6[%get3A_124, %get3A_125] {strides = array<i32>} : memref<200x112xf32, #tpu.memory_space<vmem>>, vector<16xf32>,
      %get3A_127 = arith.index_cast %scan3A_122 : i32 to index
      %get3A_128 = arith.constant 0 : index
      %get3A_129 = tpu.vector_load %arg7[%get3A_127, %get3A_128] {strides = array<i32>} : memref<201x16xf32, #tpu.memory_space<vmem>>, vector<16xf32>,
      %mul3A_130 = arith.mulf %get3A_126, %get3A_129 : vector<16xf32>
      %add3A_131 = arith.addf %scan3A_123, %mul3A_130 : vector<16xf32>
      scf.yield %add3A_131 : vector<16xf32>
    }
    %scan3A_19 = arith.constant 200 : i32
    %swap3A_20 = arith.constant 16 : index
    %swap3A_21 = tpu.vector_load %arg8[%swap3A_20] {strides = array<i32>} : memref<112xf32, #tpu.memory_space<vmem>>, vector<16xf32>,
    tpu.vector_store %arg8[%swap3A_20], %scan3A_18 {strides = array<i32>} : memref<112xf32, #tpu.memory_space<vmem>>, vector<16xf32>,
    %get3A_22 = arith.constant 200 : i32
    %get3A_23 = arith.index_cast %get3A_22 : i32 to index
    %get3A_24 = arith.constant 0 : index
    %get3A_25 = tpu.vector_load %arg7[%get3A_23, %get3A_24] {strides = array<i32>} : memref<201x16xf32, #tpu.memory_space<vmem>>, vector<16xf32>,
    %scan3A_26 = arith.constant 0 : i32
    %scan3A_27 = arith.constant 200 : i32
    %scan3A_28 = arith.addi %scan3A_26, %scan3A_27 : i32
    %scan3A_29 = arith.constant 1 : i32
    %scan3A_30 = scf.for %scan3A_122 = %scan3A_26 to %scan3A_28 step %scan3A_29 iter_args(%scan3A_123 = %get3A_25) -> (vector<16xf32>)  : i32 {
      %get3A_124 = arith.index_cast %scan3A_122 : i32 to index
      %get3A_125 = arith.constant 32 : index
      %get3A_126 = tpu.vector_load %arg6[%get3A_124, %get3A_125] {strides = array<i32>} : memref<200x112xf32, #tpu.memory_space<vmem>>, vector<16xf32>,
      %get3A_127 = arith.index_cast %scan3A_122 : i32 to index
      %get3A_128 = arith.constant 0 : index
      %get3A_129 = tpu.vector_load %arg7[%get3A_127, %get3A_128] {strides = array<i32>} : memref<201x16xf32, #tpu.memory_space<vmem>>, vector<16xf32>,
      %mul3A_130 = arith.mulf %get3A_126, %get3A_129 : vector<16xf32>
      %add3A_131 = arith.addf %scan3A_123, %mul3A_130 : vector<16xf32>
      scf.yield %add3A_131 : vector<16xf32>
    }
    %scan3A_31 = arith.constant 200 : i32
    %swap3A_32 = arith.constant 32 : index
    %swap3A_33 = tpu.vector_load %arg8[%swap3A_32] {strides = array<i32>} : memref<112xf32, #tpu.memory_space<vmem>>, vector<16xf32>,
    tpu.vector_store %arg8[%swap3A_32], %scan3A_30 {strides = array<i32>} : memref<112xf32, #tpu.memory_space<vmem>>, vector<16xf32>,
    %get3A_34 = arith.constant 200 : i32
    %get3A_35 = arith.index_cast %get3A_34 : i32 to index
    %get3A_36 = arith.constant 0 : index
    %get3A_37 = tpu.vector_load %arg7[%get3A_35, %get3A_36] {strides = array<i32>} : memref<201x16xf32, #tpu.memory_space<vmem>>, vector<16xf32>,
    %scan3A_38 = arith.constant 0 : i32
    %scan3A_39 = arith.constant 200 : i32
    %scan3A_40 = arith.addi %scan3A_38, %scan3A_39 : i32
    %scan3A_41 = arith.constant 1 : i32
    %scan3A_42 = scf.for %scan3A_122 = %scan3A_38 to %scan3A_40 step %scan3A_41 iter_args(%scan3A_123 = %get3A_37) -> (vector<16xf32>)  : i32 {
      %get3A_124 = arith.index_cast %scan3A_122 : i32 to index
      %get3A_125 = arith.constant 48 : index
      %get3A_126 = tpu.vector_load %arg6[%get3A_124, %get3A_125] {strides = array<i32>} : memref<200x112xf32, #tpu.memory_space<vmem>>, vector<16xf32>,
      %get3A_127 = arith.index_cast %scan3A_122 : i32 to index
      %get3A_128 = arith.constant 0 : index
      %get3A_129 = tpu.vector_load %arg7[%get3A_127, %get3A_128] {strides = array<i32>} : memref<201x16xf32, #tpu.memory_space<vmem>>, vector<16xf32>,
      %mul3A_130 = arith.mulf %get3A_126, %get3A_129 : vector<16xf32>
      %add3A_131 = arith.addf %scan3A_123, %mul3A_130 : vector<16xf32>
      scf.yield %add3A_131 : vector<16xf32>
    }
    %scan3A_43 = arith.constant 200 : i32
    %swap3A_44 = arith.constant 48 : index
    %swap3A_45 = tpu.vector_load %arg8[%swap3A_44] {strides = array<i32>} : memref<112xf32, #tpu.memory_space<vmem>>, vector<16xf32>,
    tpu.vector_store %arg8[%swap3A_44], %scan3A_42 {strides = array<i32>} : memref<112xf32, #tpu.memory_space<vmem>>, vector<16xf32>,
    %get3A_46 = arith.constant 200 : i32
    %get3A_47 = arith.index_cast %get3A_46 : i32 to index
    %get3A_48 = arith.constant 0 : index
    %get3A_49 = tpu.vector_load %arg7[%get3A_47, %get3A_48] {strides = array<i32>} : memref<201x16xf32, #tpu.memory_space<vmem>>, vector<16xf32>,
    %scan3A_50 = arith.constant 0 : i32
    %scan3A_51 = arith.constant 200 : i32
    %scan3A_52 = arith.addi %scan3A_50, %scan3A_51 : i32
    %scan3A_53 = arith.constant 1 : i32
    %scan3A_54 = scf.for %scan3A_122 = %scan3A_50 to %scan3A_52 step %scan3A_53 iter_args(%scan3A_123 = %get3A_49) -> (vector<16xf32>)  : i32 {
      %get3A_124 = arith.index_cast %scan3A_122 : i32 to index
      %get3A_125 = arith.constant 64 : index
      %get3A_126 = tpu.vector_load %arg6[%get3A_124, %get3A_125] {strides = array<i32>} : memref<200x112xf32, #tpu.memory_space<vmem>>, vector<16xf32>,
      %get3A_127 = arith.index_cast %scan3A_122 : i32 to index
      %get3A_128 = arith.constant 0 : index
      %get3A_129 = tpu.vector_load %arg7[%get3A_127, %get3A_128] {strides = array<i32>} : memref<201x16xf32, #tpu.memory_space<vmem>>, vector<16xf32>,
      %mul3A_130 = arith.mulf %get3A_126, %get3A_129 : vector<16xf32>
      %add3A_131 = arith.addf %scan3A_123, %mul3A_130 : vector<16xf32>
      scf.yield %add3A_131 : vector<16xf32>
    }
    %scan3A_55 = arith.constant 200 : i32
    %swap3A_56 = arith.constant 64 : index
    %swap3A_57 = tpu.vector_load %arg8[%swap3A_56] {strides = array<i32>} : memref<112xf32, #tpu.memory_space<vmem>>, vector<16xf32>,
    tpu.vector_store %arg8[%swap3A_56], %scan3A_54 {strides = array<i32>} : memref<112xf32, #tpu.memory_space<vmem>>, vector<16xf32>,
    %get3A_58 = arith.constant 200 : i32
    %get3A_59 = arith.index_cast %get3A_58 : i32 to index
    %get3A_60 = arith.constant 0 : index
    %get3A_61 = tpu.vector_load %arg7[%get3A_59, %get3A_60] {strides = array<i32>} : memref<201x16xf32, #tpu.memory_space<vmem>>, vector<16xf32>,
    %scan3A_62 = arith.constant 0 : i32
    %scan3A_63 = arith.constant 200 : i32
    %scan3A_64 = arith.addi %scan3A_62, %scan3A_63 : i32
    %scan3A_65 = arith.constant 1 : i32
    %scan3A_66 = scf.for %scan3A_122 = %scan3A_62 to %scan3A_64 step %scan3A_65 iter_args(%scan3A_123 = %get3A_61) -> (vector<16xf32>)  : i32 {
      %get3A_124 = arith.index_cast %scan3A_122 : i32 to index
      %get3A_125 = arith.constant 80 : index
      %get3A_126 = tpu.vector_load %arg6[%get3A_124, %get3A_125] {strides = array<i32>} : memref<200x112xf32, #tpu.memory_space<vmem>>, vector<16xf32>,
      %get3A_127 = arith.index_cast %scan3A_122 : i32 to index
      %get3A_128 = arith.constant 0 : index
      %get3A_129 = tpu.vector_load %arg7[%get3A_127, %get3A_128] {strides = array<i32>} : memref<201x16xf32, #tpu.memory_space<vmem>>, vector<16xf32>,
      %mul3A_130 = arith.mulf %get3A_126, %get3A_129 : vector<16xf32>
      %add3A_131 = arith.addf %scan3A_123, %mul3A_130 : vector<16xf32>
      scf.yield %add3A_131 : vector<16xf32>
    }
    %scan3A_67 = arith.constant 200 : i32
    %swap3A_68 = arith.constant 80 : index
    %swap3A_69 = tpu.vector_load %arg8[%swap3A_68] {strides = array<i32>} : memref<112xf32, #tpu.memory_space<vmem>>, vector<16xf32>,
    tpu.vector_store %arg8[%swap3A_68], %scan3A_66 {strides = array<i32>} : memref<112xf32, #tpu.memory_space<vmem>>, vector<16xf32>,
    %get3A_70 = arith.constant 200 : i32
    %get3A_71 = arith.index_cast %get3A_70 : i32 to index
    %get3A_72 = arith.constant 0 : index
    %get3A_73 = tpu.vector_load %arg7[%get3A_71, %get3A_72] {strides = array<i32>} : memref<201x16xf32, #tpu.memory_space<vmem>>, vector<16xf32>,
    %scan3A_74 = arith.constant 0 : i32
    %scan3A_75 = arith.constant 200 : i32
    %scan3A_76 = arith.addi %scan3A_74, %scan3A_75 : i32
    %scan3A_77 = arith.constant 1 : i32
    %scan3A_78 = scf.for %scan3A_122 = %scan3A_74 to %scan3A_76 step %scan3A_77 iter_args(%scan3A_123 = %get3A_73) -> (vector<16xf32>)  : i32 {
      %get3A_124 = arith.index_cast %scan3A_122 : i32 to index
      %get3A_125 = arith.constant 96 : index
      %get3A_126 = tpu.vector_load %arg6[%get3A_124, %get3A_125] {strides = array<i32>} : memref<200x112xf32, #tpu.memory_space<vmem>>, vector<16xf32>,
      %get3A_127 = arith.index_cast %scan3A_122 : i32 to index
      %get3A_128 = arith.constant 0 : index
      %get3A_129 = tpu.vector_load %arg7[%get3A_127, %get3A_128] {strides = array<i32>} : memref<201x16xf32, #tpu.memory_space<vmem>>, vector<16xf32>,
      %mul3A_130 = arith.mulf %get3A_126, %get3A_129 : vector<16xf32>
      %add3A_131 = arith.addf %scan3A_123, %mul3A_130 : vector<16xf32>
      scf.yield %add3A_131 : vector<16xf32>
    }
    %scan3A_79 = arith.constant 200 : i32
    %swap3A_80 = arith.constant 96 : index
    %swap3A_81 = tpu.vector_load %arg8[%swap3A_80] {strides = array<i32>} : memref<112xf32, #tpu.memory_space<vmem>>, vector<16xf32>,
    tpu.vector_store %arg8[%swap3A_80], %scan3A_78 {strides = array<i32>} : memref<112xf32, #tpu.memory_space<vmem>>, vector<16xf32>,
    %mul3A_82 = arith.constant 102400 : i32
    %mul3A_83 = arith.muli %add3A, %mul3A_82 : i32
    %add3A_84 = arith.constant 0 : i32
    %add3A_85 = arith.addi %mul3A_83, %add3A_84 : i32
    "tpu.region"() ({
      %run_scoped3A = tpu.sem_alloc : memref<!tpu.dma_semaphore, #tpu.memory_space<semaphore_mem>>
      %dma_start3A = tpu.memref_slice %arg2[%add3A_85] : memref<3276800xi32, #tpu.memory_space<hbm>> -> memref<25600xi32, #tpu.memory_space<hbm>>
      %dma_start3A_122 = tpu.memref_slice %arg2[%add3A_85] : memref<3276800xi32, #tpu.memory_space<hbm>> -> memref<25600xi32, #tpu.memory_space<hbm>>
      tpu.enqueue_dma source(%dma_start3A_122 : memref<25600xi32, #tpu.memory_space<hbm>>) target(%arg9 : memref<25600xi32, #tpu.memory_space<vmem>>) target_semaphore(%run_scoped3A : memref<!tpu.dma_semaphore, #tpu.memory_space<semaphore_mem>>)
      %dma_wait3A = tpu.memref_slice %arg2[%add3A_85] : memref<3276800xi32, #tpu.memory_space<hbm>> -> memref<25600xi32, #tpu.memory_space<hbm>>
      %dma_wait3A_123 = tpu.memref_slice %arg2[%add3A_85] : memref<3276800xi32, #tpu.memory_space<hbm>> -> memref<25600xi32, #tpu.memory_space<hbm>>
      tpu.wait_dma2 semaphore(%run_scoped3A : memref<!tpu.dma_semaphore, #tpu.memory_space<semaphore_mem>>) src(%dma_wait3A_123 : memref<25600xi32, #tpu.memory_space<hbm>>) dst(%arg9 : memref<25600xi32, #tpu.memory_space<vmem>>)
      tpu.yield
    }) : () -> ()
    %scan3A_86 = arith.constant 0 : i32
    %scan3A_87 = arith.constant 0 : i32
    %scan3A_88 = arith.constant 1600 : i32
    %scan3A_89 = arith.addi %scan3A_87, %scan3A_88 : i32
    %scan3A_90 = arith.constant 1 : i32
    scf.for %scan3A_122 = %scan3A_87 to %scan3A_89 step %scan3A_90  : i32 {
      %mul3A_123 = arith.constant 16 : i32
      %mul3A_124 = arith.muli %scan3A_122, %mul3A_123 : i32
      %get3A_125 = arith.index_cast %mul3A_124 : i32 to index
      %get3A_126 = tpu.vector_load %arg9[%get3A_125] {strides = array<i32>} : memref<25600xi32, #tpu.memory_space<vmem>>, vector<16xi32>,
      %gather3A = tpu.vector_load_idx %arg8[%get3A_126] : memref<112xf32, #tpu.memory_space<vmem>>[vector<16xi32>], vector<16xf32>,
      %swap3A_127 = arith.index_cast %mul3A_124 : i32 to index
      %swap3A_128 = tpu.vector_load %arg10[%swap3A_127] {strides = array<i32>} : memref<25600xf32, #tpu.memory_space<vmem>>, vector<16xf32>,
      tpu.vector_store %arg10[%swap3A_127], %gather3A {strides = array<i32>} : memref<25600xf32, #tpu.memory_space<vmem>>, vector<16xf32>,
    }
    %scan3A_91 = arith.constant 1600 : i32
    "tpu.region"() ({
      %run_scoped3A = tpu.sem_alloc : memref<!tpu.dma_semaphore, #tpu.memory_space<semaphore_mem>>
      %dma_start3A = tpu.memref_slice %arg5[%add3A_85] : memref<3276800xf32, #tpu.memory_space<hbm>> -> memref<25600xf32, #tpu.memory_space<hbm>>
      %dma_start3A_122 = tpu.memref_slice %arg5[%add3A_85] : memref<3276800xf32, #tpu.memory_space<hbm>> -> memref<25600xf32, #tpu.memory_space<hbm>>
      tpu.enqueue_dma source(%arg10 : memref<25600xf32, #tpu.memory_space<vmem>>) target(%dma_start3A_122 : memref<25600xf32, #tpu.memory_space<hbm>>) target_semaphore(%run_scoped3A : memref<!tpu.dma_semaphore, #tpu.memory_space<semaphore_mem>>)
      %dma_wait3A = tpu.memref_slice %arg5[%add3A_85] : memref<3276800xf32, #tpu.memory_space<hbm>> -> memref<25600xf32, #tpu.memory_space<hbm>>
      %dma_wait3A_123 = tpu.memref_slice %arg5[%add3A_85] : memref<3276800xf32, #tpu.memory_space<hbm>> -> memref<25600xf32, #tpu.memory_space<hbm>>
      tpu.wait_dma2 semaphore(%run_scoped3A : memref<!tpu.dma_semaphore, #tpu.memory_space<semaphore_mem>>) src(%arg10 : memref<25600xf32, #tpu.memory_space<vmem>>) dst(%dma_wait3A_123 : memref<25600xf32, #tpu.memory_space<hbm>>)
      tpu.yield
    }) : () -> ()
    %mul3A_92 = arith.constant 102400 : i32
    %mul3A_93 = arith.muli %add3A, %mul3A_92 : i32
    %add3A_94 = arith.constant 25600 : i32
    %add3A_95 = arith.addi %mul3A_93, %add3A_94 : i32
    "tpu.region"() ({
      %run_scoped3A = tpu.sem_alloc : memref<!tpu.dma_semaphore, #tpu.memory_space<semaphore_mem>>
      %dma_start3A = tpu.memref_slice %arg2[%add3A_95] : memref<3276800xi32, #tpu.memory_space<hbm>> -> memref<25600xi32, #tpu.memory_space<hbm>>
      %dma_start3A_122 = tpu.memref_slice %arg2[%add3A_95] : memref<3276800xi32, #tpu.memory_space<hbm>> -> memref<25600xi32, #tpu.memory_space<hbm>>
      tpu.enqueue_dma source(%dma_start3A_122 : memref<25600xi32, #tpu.memory_space<hbm>>) target(%arg9 : memref<25600xi32, #tpu.memory_space<vmem>>) target_semaphore(%run_scoped3A : memref<!tpu.dma_semaphore, #tpu.memory_space<semaphore_mem>>)
      %dma_wait3A = tpu.memref_slice %arg2[%add3A_95] : memref<3276800xi32, #tpu.memory_space<hbm>> -> memref<25600xi32, #tpu.memory_space<hbm>>
      %dma_wait3A_123 = tpu.memref_slice %arg2[%add3A_95] : memref<3276800xi32, #tpu.memory_space<hbm>> -> memref<25600xi32, #tpu.memory_space<hbm>>
      tpu.wait_dma2 semaphore(%run_scoped3A : memref<!tpu.dma_semaphore, #tpu.memory_space<semaphore_mem>>) src(%dma_wait3A_123 : memref<25600xi32, #tpu.memory_space<hbm>>) dst(%arg9 : memref<25600xi32, #tpu.memory_space<vmem>>)
      tpu.yield
    }) : () -> ()
    %scan3A_96 = arith.constant 0 : i32
    %scan3A_97 = arith.constant 0 : i32
    %scan3A_98 = arith.constant 1600 : i32
    %scan3A_99 = arith.addi %scan3A_97, %scan3A_98 : i32
    %scan3A_100 = arith.constant 1 : i32
    scf.for %scan3A_122 = %scan3A_97 to %scan3A_99 step %scan3A_100  : i32 {
      %mul3A_123 = arith.constant 16 : i32
      %mul3A_124 = arith.muli %scan3A_122, %mul3A_123 : i32
      %get3A_125 = arith.index_cast %mul3A_124 : i32 to index
      %get3A_126 = tpu.vector_load %arg9[%get3A_125] {strides = array<i32>} : memref<25600xi32, #tpu.memory_space<vmem>>, vector<16xi32>,
      %gather3A = tpu.vector_load_idx %arg8[%get3A_126] : memref<112xf32, #tpu.memory_space<vmem>>[vector<16xi32>], vector<16xf32>,
      %swap3A_127 = arith.index_cast %mul3A_124 : i32 to index
      %swap3A_128 = tpu.vector_load %arg10[%swap3A_127] {strides = array<i32>} : memref<25600xf32, #tpu.memory_space<vmem>>, vector<16xf32>,
      tpu.vector_store %arg10[%swap3A_127], %gather3A {strides = array<i32>} : memref<25600xf32, #tpu.memory_space<vmem>>, vector<16xf32>,
    }
    %scan3A_101 = arith.constant 1600 : i32
    "tpu.region"() ({
      %run_scoped3A = tpu.sem_alloc : memref<!tpu.dma_semaphore, #tpu.memory_space<semaphore_mem>>
      %dma_start3A = tpu.memref_slice %arg5[%add3A_95] : memref<3276800xf32, #tpu.memory_space<hbm>> -> memref<25600xf32, #tpu.memory_space<hbm>>
      %dma_start3A_122 = tpu.memref_slice %arg5[%add3A_95] : memref<3276800xf32, #tpu.memory_space<hbm>> -> memref<25600xf32, #tpu.memory_space<hbm>>
      tpu.enqueue_dma source(%arg10 : memref<25600xf32, #tpu.memory_space<vmem>>) target(%dma_start3A_122 : memref<25600xf32, #tpu.memory_space<hbm>>) target_semaphore(%run_scoped3A : memref<!tpu.dma_semaphore, #tpu.memory_space<semaphore_mem>>)
      %dma_wait3A = tpu.memref_slice %arg5[%add3A_95] : memref<3276800xf32, #tpu.memory_space<hbm>> -> memref<25600xf32, #tpu.memory_space<hbm>>
      %dma_wait3A_123 = tpu.memref_slice %arg5[%add3A_95] : memref<3276800xf32, #tpu.memory_space<hbm>> -> memref<25600xf32, #tpu.memory_space<hbm>>
      tpu.wait_dma2 semaphore(%run_scoped3A : memref<!tpu.dma_semaphore, #tpu.memory_space<semaphore_mem>>) src(%arg10 : memref<25600xf32, #tpu.memory_space<vmem>>) dst(%dma_wait3A_123 : memref<25600xf32, #tpu.memory_space<hbm>>)
      tpu.yield
    }) : () -> ()
    %mul3A_102 = arith.constant 102400 : i32
    %mul3A_103 = arith.muli %add3A, %mul3A_102 : i32
    %add3A_104 = arith.constant 51200 : i32
    %add3A_105 = arith.addi %mul3A_103, %add3A_104 : i32
    "tpu.region"() ({
      %run_scoped3A = tpu.sem_alloc : memref<!tpu.dma_semaphore, #tpu.memory_space<semaphore_mem>>
      %dma_start3A = tpu.memref_slice %arg2[%add3A_105] : memref<3276800xi32, #tpu.memory_space<hbm>> -> memref<25600xi32, #tpu.memory_space<hbm>>
      %dma_start3A_122 = tpu.memref_slice %arg2[%add3A_105] : memref<3276800xi32, #tpu.memory_space<hbm>> -> memref<25600xi32, #tpu.memory_space<hbm>>
      tpu.enqueue_dma source(%dma_start3A_122 : memref<25600xi32, #tpu.memory_space<hbm>>) target(%arg9 : memref<25600xi32, #tpu.memory_space<vmem>>) target_semaphore(%run_scoped3A : memref<!tpu.dma_semaphore, #tpu.memory_space<semaphore_mem>>)
      %dma_wait3A = tpu.memref_slice %arg2[%add3A_105] : memref<3276800xi32, #tpu.memory_space<hbm>> -> memref<25600xi32, #tpu.memory_space<hbm>>
      %dma_wait3A_123 = tpu.memref_slice %arg2[%add3A_105] : memref<3276800xi32, #tpu.memory_space<hbm>> -> memref<25600xi32, #tpu.memory_space<hbm>>
      tpu.wait_dma2 semaphore(%run_scoped3A : memref<!tpu.dma_semaphore, #tpu.memory_space<semaphore_mem>>) src(%dma_wait3A_123 : memref<25600xi32, #tpu.memory_space<hbm>>) dst(%arg9 : memref<25600xi32, #tpu.memory_space<vmem>>)
      tpu.yield
    }) : () -> ()
    %scan3A_106 = arith.constant 0 : i32
    %scan3A_107 = arith.constant 0 : i32
    %scan3A_108 = arith.constant 1600 : i32
    %scan3A_109 = arith.addi %scan3A_107, %scan3A_108 : i32
    %scan3A_110 = arith.constant 1 : i32
    scf.for %scan3A_122 = %scan3A_107 to %scan3A_109 step %scan3A_110  : i32 {
      %mul3A_123 = arith.constant 16 : i32
      %mul3A_124 = arith.muli %scan3A_122, %mul3A_123 : i32
      %get3A_125 = arith.index_cast %mul3A_124 : i32 to index
      %get3A_126 = tpu.vector_load %arg9[%get3A_125] {strides = array<i32>} : memref<25600xi32, #tpu.memory_space<vmem>>, vector<16xi32>,
      %gather3A = tpu.vector_load_idx %arg8[%get3A_126] : memref<112xf32, #tpu.memory_space<vmem>>[vector<16xi32>], vector<16xf32>,
      %swap3A_127 = arith.index_cast %mul3A_124 : i32 to index
      %swap3A_128 = tpu.vector_load %arg10[%swap3A_127] {strides = array<i32>} : memref<25600xf32, #tpu.memory_space<vmem>>, vector<16xf32>,
      tpu.vector_store %arg10[%swap3A_127], %gather3A {strides = array<i32>} : memref<25600xf32, #tpu.memory_space<vmem>>, vector<16xf32>,
    }
    %scan3A_111 = arith.constant 1600 : i32
    "tpu.region"() ({
      %run_scoped3A = tpu.sem_alloc : memref<!tpu.dma_semaphore, #tpu.memory_space<semaphore_mem>>
      %dma_start3A = tpu.memref_slice %arg5[%add3A_105] : memref<3276800xf32, #tpu.memory_space<hbm>> -> memref<25600xf32, #tpu.memory_space<hbm>>
      %dma_start3A_122 = tpu.memref_slice %arg5[%add3A_105] : memref<3276800xf32, #tpu.memory_space<hbm>> -> memref<25600xf32, #tpu.memory_space<hbm>>
      tpu.enqueue_dma source(%arg10 : memref<25600xf32, #tpu.memory_space<vmem>>) target(%dma_start3A_122 : memref<25600xf32, #tpu.memory_space<hbm>>) target_semaphore(%run_scoped3A : memref<!tpu.dma_semaphore, #tpu.memory_space<semaphore_mem>>)
      %dma_wait3A = tpu.memref_slice %arg5[%add3A_105] : memref<3276800xf32, #tpu.memory_space<hbm>> -> memref<25600xf32, #tpu.memory_space<hbm>>
      %dma_wait3A_123 = tpu.memref_slice %arg5[%add3A_105] : memref<3276800xf32, #tpu.memory_space<hbm>> -> memref<25600xf32, #tpu.memory_space<hbm>>
      tpu.wait_dma2 semaphore(%run_scoped3A : memref<!tpu.dma_semaphore, #tpu.memory_space<semaphore_mem>>) src(%arg10 : memref<25600xf32, #tpu.memory_space<vmem>>) dst(%dma_wait3A_123 : memref<25600xf32, #tpu.memory_space<hbm>>)
      tpu.yield
    }) : () -> ()
    %mul3A_112 = arith.constant 102400 : i32
    %mul3A_113 = arith.muli %add3A, %mul3A_112 : i32
    %add3A_114 = arith.constant 76800 : i32
    %add3A_115 = arith.addi %mul3A_113, %add3A_114 : i32
    "tpu.region"() ({
      %run_scoped3A = tpu.sem_alloc : memref<!tpu.dma_semaphore, #tpu.memory_space<semaphore_mem>>
      %dma_start3A = tpu.memref_slice %arg2[%add3A_115] : memref<3276800xi32, #tpu.memory_space<hbm>> -> memref<25600xi32, #tpu.memory_space<hbm>>
      %dma_start3A_122 = tpu.memref_slice %arg2[%add3A_115] : memref<3276800xi32, #tpu.memory_space<hbm>> -> memref<25600xi32, #tpu.memory_space<hbm>>
      tpu.enqueue_dma source(%dma_start3A_122 : memref<25600xi32, #tpu.memory_space<hbm>>) target(%arg9 : memref<25600xi32, #tpu.memory_space<vmem>>) target_semaphore(%run_scoped3A : memref<!tpu.dma_semaphore, #tpu.memory_space<semaphore_mem>>)
      %dma_wait3A = tpu.memref_slice %arg2[%add3A_115] : memref<3276800xi32, #tpu.memory_space<hbm>> -> memref<25600xi32, #tpu.memory_space<hbm>>
      %dma_wait3A_123 = tpu.memref_slice %arg2[%add3A_115] : memref<3276800xi32, #tpu.memory_space<hbm>> -> memref<25600xi32, #tpu.memory_space<hbm>>
      tpu.wait_dma2 semaphore(%run_scoped3A : memref<!tpu.dma_semaphore, #tpu.memory_space<semaphore_mem>>) src(%dma_wait3A_123 : memref<25600xi32, #tpu.memory_space<hbm>>) dst(%arg9 : memref<25600xi32, #tpu.memory_space<vmem>>)
      tpu.yield
    }) : () -> ()
    %scan3A_116 = arith.constant 0 : i32
    %scan3A_117 = arith.constant 0 : i32
    %scan3A_118 = arith.constant 1600 : i32
    %scan3A_119 = arith.addi %scan3A_117, %scan3A_118 : i32
    %scan3A_120 = arith.constant 1 : i32
    scf.for %scan3A_122 = %scan3A_117 to %scan3A_119 step %scan3A_120  : i32 {
      %mul3A_123 = arith.constant 16 : i32
      %mul3A_124 = arith.muli %scan3A_122, %mul3A_123 : i32
      %get3A_125 = arith.index_cast %mul3A_124 : i32 to index
      %get3A_126 = tpu.vector_load %arg9[%get3A_125] {strides = array<i32>} : memref<25600xi32, #tpu.memory_space<vmem>>, vector<16xi32>,
      %gather3A = tpu.vector_load_idx %arg8[%get3A_126] : memref<112xf32, #tpu.memory_space<vmem>>[vector<16xi32>], vector<16xf32>,
      %swap3A_127 = arith.index_cast %mul3A_124 : i32 to index
      %swap3A_128 = tpu.vector_load %arg10[%swap3A_127] {strides = array<i32>} : memref<25600xf32, #tpu.memory_space<vmem>>, vector<16xf32>,
      tpu.vector_store %arg10[%swap3A_127], %gather3A {strides = array<i32>} : memref<25600xf32, #tpu.memory_space<vmem>>, vector<16xf32>,
    }
    %scan3A_121 = arith.constant 1600 : i32
    "tpu.region"() ({
      %run_scoped3A = tpu.sem_alloc : memref<!tpu.dma_semaphore, #tpu.memory_space<semaphore_mem>>
      %dma_start3A = tpu.memref_slice %arg5[%add3A_115] : memref<3276800xf32, #tpu.memory_space<hbm>> -> memref<25600xf32, #tpu.memory_space<hbm>>
      %dma_start3A_122 = tpu.memref_slice %arg5[%add3A_115] : memref<3276800xf32, #tpu.memory_space<hbm>> -> memref<25600xf32, #tpu.memory_space<hbm>>
      tpu.enqueue_dma source(%arg10 : memref<25600xf32, #tpu.memory_space<vmem>>) target(%dma_start3A_122 : memref<25600xf32, #tpu.memory_space<hbm>>) target_semaphore(%run_scoped3A : memref<!tpu.dma_semaphore, #tpu.memory_space<semaphore_mem>>)
      %dma_wait3A = tpu.memref_slice %arg5[%add3A_115] : memref<3276800xf32, #tpu.memory_space<hbm>> -> memref<25600xf32, #tpu.memory_space<hbm>>
      %dma_wait3A_123 = tpu.memref_slice %arg5[%add3A_115] : memref<3276800xf32, #tpu.memory_space<hbm>> -> memref<25600xf32, #tpu.memory_space<hbm>>
      tpu.wait_dma2 semaphore(%run_scoped3A : memref<!tpu.dma_semaphore, #tpu.memory_space<semaphore_mem>>) src(%arg10 : memref<25600xf32, #tpu.memory_space<vmem>>) dst(%dma_wait3A_123 : memref<25600xf32, #tpu.memory_space<hbm>>)
      tpu.yield
    }) : () -> ()
    return
  }
}

</mosaic_0001>

<sc_bundles>
// kernel: kernel.3.cloned.1.call-start
scs
__scs_entry_jumppad:
0x0: {  	(pc) =	sbr.rel $0x88, $3  }
0x1: {  	(tag) =	ssettag $0x0;
	lr =	simm.s32 $0x1  }
0x2: {  	[smem:$0x3F9D] =	sst lr;
	_ =	strace $0xD0000000  }
0x3: {  	_ = 	snop  }
0x4: {  	_ = 	snop  }
0x5: {  	_ = 	snop  }
0x6: {  	_ = 	snop  }
0x7: {  	_ = 	snop  }
__scs_overlays_trampoline_lowered:
0x8: {  	[smem:$0x3FAC] =	sst s0  }
0x9: {  	[smem:$0x3FAD] =	sst s1  }
0xa: {  	[smem:$0x3FAE] =	sst s2  }
0xb: {  	[smem:$0x3FAF] =	sst s3  }
0xc: {  	[smem:$0x3FB0] =	sst s4  }
0xd: {  	[smem:$0x3FB1] =	sst s5  }
0xe: {  	[smem:$0x3FB2] =	sst s6  }
0xf: {  	[smem:$0x3FB3] =	sst s7  }
0x10: {  	[smem:$0x3FB4] =	sst s8  }
0x11: {  	[smem:$0x3FB5] =	sst s9;
	s0 =	simm.s32 @!p0 $0x0  }
0x12: {  	s1 =	sld [smem:$0x3F9B];
	s0 =	simm.s32 @p0 $0x1  }
0x13: {  	[smem:$0x3FB6] =	sst s0;
	s0 =	simm.s32 @!p1 $0x0  }
0x14: {  	s2 =	sld [smem:$0x3F9A];
	s0 =	simm.s32 @p1 $0x1  }
0x15: {  	[smem:$0x3FB7] =	sst s0;
	s0 =	simm.s32 @!p2 $0x0  }
0x16: {  	s3 =	sld [smem:$0x3FDB];
	s0 =	simm.s32 @p2 $0x1  }
0x17: {  	s4 =	simm.s32 $0x1BF5;
	[smem:$0x3FB9] =	sst s0  }
0x18: {  	s0 =	sld [smem:$0x3F9C];
	_ =	swait.ge [sflag:s4], $0x0  }
0x19: {  	s7 =	sld [smem:$0x3F9D]  }
0x1a: {  	s8 =	sadd.s32 $0xFFFFE003, lr  }
0x1b: {  	s9 =	sadd.s32 $0xFFFFFEF7, lr;
	s5 =	simm.s32 $0xFFFFFFFF;
	p2 =	slt.u32 s8, $0xFFFFF086  }
0x1c: {  	p1 =	slt.u32 s9, $0xF7A;
	s5 =	simm.s32 @!p2 $0x0  }
0x1d: {  	s5 =	simm.s32 @p1 $0x1;
	p0 =	seq.s32 s7, s2  }
0x1e: {  	s7 =	smul.u32 @!p0 $0xF7A, s2;
	p2 =	seq.s32 @!p0 s5, $0x0  }
0x1f: {  	s9 =	smul.u32 $0xF7A, s1;
	s8 =	simm.s32 @!p0 $0x1BF5;
	p2 =	por !p2, p0  }
0x20: {  	[sflag:s8] =	ssyncset.s32 @!p0 $0xFFFFF086;
	s6 =	sadd.s32 @!p0 s3, s7;
	s7 =	simm.s32 @!p0 $0x108  }
0x21: {  	s3 =	sadd.s32 s3, s9;
	s6 =	sadd.s32 @!p0 $0x88, s6;
	s7 =	simm.s32 @p2 $0x1082  }
0x22: {  	[simem:s7], [sflag:s8] =	dma.local @!p0 [hbm:s6], $0xF7A  }
0x23: {  	s9 =	sor.u32 $0xD0000000, s2;
	s6 =	simm.s32 $0x108;
	_ =	swait.ge @!p0 [sflag:s8], $0x0  }
0x24: {  	s3 =	sadd.s32 $0x88, s3;
	s6 =	simm.s32 @!p1 $0x1082;
	[sflag:s4] =	ssyncset.s32 $0xFFFFF086  }
0x25: {  	[simem:s6], [sflag:s4] =	dma.local [hbm:s3], $0xF7A  }
0x26: {  	[smem:$0x3F9D] =	sst s1;
	(tag) =	ssettag s2;
	_ =	strace s9  }
0x27: {  	s1 =	sld [smem:$0x3FAD]  }
0x28: {  	s2 =	sld [smem:$0x3FAE]  }
0x29: {  	s4 =	sld [smem:$0x3FB0]  }
0x2a: {  	p0 =	seq.s32 s5, $0x0;
	s5 =	sld [smem:$0x3FB1]  }
0x2b: {  	s6 =	sld [smem:$0x3FB2]  }
0x2c: {  	s7 =	sld [smem:$0x3FB3]  }
0x2d: {  	s3 =	simm.s32 $0x108;
	s8 =	sld [smem:$0x3FB4]  }
0x2e: {  	s3 =	simm.s32 @!p0 $0x1082;
	s9 =	sld [smem:$0x3FB5]  }
0x2f: {  	lr =	sadd.s32 s0, s3;
	s0 =	sld [smem:$0x3FAC]  }
0x30: {  	s3 =	sld [smem:$0x3FAF]  }
0x31: {  	[smem:$0x3FB8] =	sst s10  }
0x32: {  	s10 =	sld [smem:$0x3FB6];
	_ =	sdelay $0x3  }
0x33: {  	p0 =	seq.s32 s10, $0x1;
	s10 =	sld [smem:$0x3FB8];
	_ =	sdelay $0x3  }
0x34: {  	[smem:$0x3FB8] =	sst s10  }
0x35: {  	s10 =	sld [smem:$0x3FB7];
	_ =	sdelay $0x3  }
0x36: {  	p1 =	seq.s32 s10, $0x1;
	s10 =	sld [smem:$0x3FB8];
	_ =	sdelay $0x3  }
0x37: {  	[smem:$0x3FB8] =	sst s10  }
0x38: {  	s10 =	sld [smem:$0x3FB9]  }
0x39: {  	_ = 	snop;
	(pc) =	sbr.ind lr, $3  }
0x3a: {  	_ = 	snop  }
0x3b: {  	_ = 	snop  }
0x3c: {  	p2 =	seq.s32 s10, $0x1;
	s10 =	sld [smem:$0x3FB8]  }
0x3d: {  	_ =	shalt  }
0x3e: {  	_ =	shalt  }
0x3f: {  	_ =	shalt  }
0x40: {  	_ =	shalt  }
0x41: {  	_ =	shalt  }
0x42: {  	_ =	shalt  }
0x43: {  	_ =	shalt  }
0x44: {  	_ =	shalt  }
0x45: {  	_ =	shalt  }
0x46: {  	_ =	shalt  }
0x47: {  	_ =	shalt  }
0x48: {  	_ =	shalt  }
0x49: {  	_ =	shalt  }
0x4a: {  	_ =	shalt  }
0x4b: {  	_ =	shalt  }
0x4c: {  	_ =	shalt  }
0x4d: {  	_ =	shalt  }
0x4e: {  	_ =	shalt  }
0x4f: {  	_ =	shalt  }
0x50: {  	_ =	shalt  }
0x51: {  	_ =	shalt  }
0x52: {  	_ =	shalt  }
0x53: {  	_ =	shalt  }
0x54: {  	_ =	shalt  }
0x55: {  	_ =	shalt  }
0x56: {  	_ =	shalt  }
0x57: {  	_ =	shalt  }
0x58: {  	_ =	shalt  }
0x59: {  	_ =	shalt  }
0x5a: {  	_ =	shalt  }
0x5b: {  	_ =	shalt  }
0x5c: {  	_ =	shalt  }
0x5d: {  	_ =	shalt  }
0x5e: {  	_ =	shalt  }
0x5f: {  	_ =	shalt  }
0x60: {  	_ =	shalt  }
0x61: {  	_ =	shalt  }
0x62: {  	_ =	shalt  }
0x63: {  	_ =	shalt  }
0x64: {  	_ =	shalt  }
0x65: {  	_ =	shalt  }
0x66: {  	_ =	shalt  }
0x67: {  	_ =	shalt  }
0x68: {  	_ =	shalt  }
0x69: {  	_ =	shalt  }
0x6a: {  	_ =	shalt  }
0x6b: {  	_ =	shalt  }
0x6c: {  	_ =	shalt  }
0x6d: {  	_ =	shalt  }
0x6e: {  	_ =	shalt  }
0x6f: {  	_ =	shalt  }
0x70: {  	_ =	shalt  }
0x71: {  	_ =	shalt  }
0x72: {  	_ =	shalt  }
0x73: {  	_ =	shalt  }
0x74: {  	_ =	shalt  }
0x75: {  	_ =	shalt  }
0x76: {  	_ =	shalt  }
0x77: {  	_ =	shalt  }
0x78: {  	_ =	shalt  }
0x79: {  	_ =	shalt  }
0x7a: {  	_ =	shalt  }
0x7b: {  	_ =	shalt  }
0x7c: {  	_ =	shalt  }
0x7d: {  	_ =	shalt  }
0x7e: {  	_ =	shalt  }
0x7f: {  	_ =	shalt  }
0x80: {  	_ =	shalt  }
0x81: {  	_ =	shalt  }
0x82: {  	_ =	shalt  }
0x83: {  	_ =	shalt  }
0x84: {  	_ =	shalt  }
0x85: {  	_ =	shalt  }
0x86: {  	_ =	shalt  }
0x87: {  	_ =	shalt  }
.Lfunc_end0:
.L_simem_size_0:
called_computation_lowered:
.L_overlay_start_0:
0x88: {  	s2 =	sld [smem:$0x3FD9]  }
0x89: {  	s3 =	sld [smem:$0x3FFE];
	_ =	sdelay $0x1  }
0x8a: {  	s1 =	srdreg.scid  }
0x8b: {  	s0 =	sand.u32 $0x1, s1  }
0x8c: {  	s17 =	sshll.u32 s0, $0xA;
	s2 =	sadd.s32 s3, s2  }
0x8d: {  	s2 =	sadd.s32 s2, s17  }
0x8e: {  	[smem:$0x3FC4] =	sst s2  }
0x8f: {  	_ = 	snop  }
0x90: {  	s2 =	sld [smem:$0x3FD0];
	(tm) =	ssettm $0x1  }
0x91: {  	s18 =	sld [smem:$0x3FFB];
	_ =	sdelay $0x3  }
0x92: {  	_ =	strace s18  }
0x93: {  	s3 =	sld [smem:$0x3FFC];
	_ =	sdelay $0x3  }
0x94: {  	_ =	strace s3  }
0x95: {  	s3 =	sld [smem:$0x3FFD];
	_ =	sdelay $0x3  }
0x96: {  	_ =	strace s3  }
0x97: {  	_ =	strace $0x8FFFFFFF  }
0x98: {  	s19 =	sld [smem:$0x3FDB];
	_ =	sdelay $0x1  }
0x99: {  	s4 =	simm.s32 $_scs_section_size  }
0x9a: {  	s5 =	simm.s32 $_size__tile_overlayer_lowered;
	s6 =	simm.s32 $_tile_overlayer_lowered  }
0x9b: {  	s22 =	simm.s32 $0x1BFF;
	s21 =	sshll.u32 s6, $0x1;
	s3 =	sadd.s32 s4, s19  }
0x9c: {  	s7 =	simm.s32 $0x0;
	s20 =	sshll.u32 s5, $0x1;
	s5 =	sadd.s32 s21, s3  }
0x9d: {  	[timem:s7], [sflag:s22] =	dma.local [hbm:s5], s20  }
0x9e: {  	_ =	swait.ge [sflag:s22], s20  }
0x9f: {  	s4 =	ssub.s32 $0x0, s20;
	[sflag:s22] =	ssyncset.done $0x0  }
0xa0: {  	[sflag:s22] =	ssyncadd.s32 s4;
	_ =	sdelay $0x1  }
0xa1: {  	s23 =	simm.s32 $0x1B8B  }
0xa2: {  	_ =	swait.ge [sflag:s23], $0x1  }
0xa3: {  	[sflag:s23] =	ssyncset.done $0x0  }
0xa4: {  	s25 =	simm.s32 $0x1B8E;
	s24 =	sld [smem:$0x3FFE];
	[sflag:s23] =	ssyncadd.s32 $0xFFFFFFFF  }
0xa5: {  	s26 =	simm.s32 $execute0_lowered;
	[smem:$0x3FD2] =	sst s25  }
0xa6: {  	s5 =	sshll.u32 s26, $0x1;
	_ =	strace $0x80000046;
	[dreg:$0x1] =	wrdreg $0xFFFFFFFF  }
0xa7: {  	s28 =	simm.s32 $_size_execute0_lowered;
	s3 =	sadd.s32 s3, s5;
	[dreg:$0x0] =	wrdreg $0x0  }
0xa8: {  	s5 =	sshll.u32 s28, $0x1;
	[dreg:$0x2] =	wrdreg s3  }
0xa9: {  	[dreg:$0x3] =	wrdreg s5  }
0xaa: {  	[dreg:$0x4] =	wrdreg $0xC0  }
0xab: {  	_ =	task [dreg:s7], $0x5FFFF  }
0xac: {  	[dreg:$0x1] =	wrdreg $0xFFFFFFFF  }
0xad: {  	[dreg:$0x0] =	wrdreg $0x60  }
0xae: {  	[dreg:$0x2] =	wrdreg s2  }
0xaf: {  	[dreg:$0x3] =	wrdreg s24  }
0xb0: {  	[dreg:$0x4] =	wrdreg $0x9  }
0xb1: {  	_ =	task.clear_ibuf [dreg:s7], $0x5FFFF;
	_ =	strace $0x90000046  }
0xb2: {  	s29 =	simm.s32 $0x9;
	_ =	strace $0x80000048  }
0xb3: {  	_ =	swait.ge [sflag:s29], $0x1  }
0xb4: {  	[sflag:s29] =	ssyncadd.s32 $0xFFFFFFFF  }
0xb5: {  	_ =	strace $0x90000048  }
0xb6: {  	_ =	sfence  }
0xb7: {  	s30 =	sld [smem:$0x0];
	_ =	sdelay $0x2  }
0xb8: {  	s31 =	sshll.u32 s1, $0xD;
	s1 =	sshrl.u32 s1, $0x2  }
0xb9: {  	s3 =	sand.u32 $0x4000, s31;
	s1 =	sadd.s32 s1, s30  }
0xba: {  	s0 =	sor.u32 s3, s0;
	s1 =	sshll.u32 s1, $0x11  }
0xbb: {  	s0 =	sor.u32 s1, s0  }
0xbc: {  	s0 =	sadd.s32 $0x8F2B, s0  }
0xbd: {  	[sflag:s0] =	ssyncadd.remote.s32 $0x1  }
0xbe: {  	_ =	sfence.sel $0xFFFF  }
0xbf: {  	[dreg:$0x0] =	wrdreg $0xFFFFFFFF;
	(pc) =	sbr.abs _section_cstart, $3  }
0xc0: {  	[dreg:$0x1] =	wrdreg $0xFFFFFFFF  }
0xc1: {  	_ =	task.clear_ibuf [dreg:s7], $0x2FFFF;
	_ =	strace $0x9FFFFFFF  }
0xc2: {  	(tm) =	ssettm $0x7FFFFFFF  }
0xc3: {  	_ =	shalt  }
tec
execute0_lowered:
.L_overlay_start_1:
0x0: {  	(tag) =	ssettag $0x1  }
0x1: {  	s11 =	rddreg [dreg:$0x0]  }
0x2: {  	s5 =	rddreg [dreg:$0x1]  }
0x3: {  	s0 =	rddreg [dreg:$0x2];
	s3 =	srdreg.scid  }
0x4: {  	s1 =	stileid.u32;
	s2 =	simm.s32 $0x0;
	s15 =	simm.s32 $0x6400  }
0x5: {  	s16 =	simm.s32 $0xCC80;
	s17 =	simm.s32 $0xCC00;
	s18 =	simm.s32 $0x13080  }
0x6: {  	s19 =	simm.s32 $0x0;
	s3 =	sand.u32 $0x1, s3;
	s4 =	sshll.u32 s1, $0x1  }
0x7: {  	[smem:$0x7FF] =	sst s2;
	s4 =	sor.u32 s3, s4;
	s6 =	ssub.s32 $0x2, s3  }
0x8: {  	s12 =	sadd.s32 $0x2400, s5;
	s7 =	smul.u32 $0x19000, s4;
	s8 =	sshrl.u32 s6, $0x1  }
0x9: {  	_ =	strace $0x80000047;
	s3 =	sadd.s32 $0x800, s5;
	s13 =	ssub.s32 s6, s8  }
0xa: {  	s4 =	sadd.s32 $0x1600, s5;
	s14 =	sshrl.u32 s7, $0x3;
	s13 =	smax.u32 s13, $0x1  }
0xb: {  	s5 =	sadd.s32 s11, s14;
	s6 =	sadd.s32 s12, s14;
	s31 =	sadd.s32 $0xC80, s14  }
0xc: {  	s10 =	sadd.s32 $0x1900, s14;
	s14 =	sadd.s32 $0x2580, s14;
	s7 =	sadd.s32 s11, s31  }
0xd: {  	s8 =	sadd.s32 s12, s31;
	s9 =	sadd.s32 s11, s10;
	s10 =	sadd.s32 s12, s10  }
0xe: {  	s11 =	sadd.s32 s11, s14;
	s12 =	sadd.s32 s12, s14;
	s14 =	simm.s32 $0x1  }
.LBB2_1:
0xf: {  	[tilespmem:s2], [sflag:$0x1] =	stream.linear.gather [hbm4b:s3+s2], $0x6400, $0x38;
	[tilespmem:$0x19480] =	vst v63  }
0x10: {  	_ =	swait.ge [sflag:s14], $0x6400  }
0x11: {  	[sflag:s14] =	ssyncset.done $0x0  }
0x12: {  	[sflag:s14] =	ssyncadd.s32 $0xFFFF9C00  }
0x13: {  	[tilespmem:s15], [sflag:$0x1] =	stream.linear.gather [hbm4b:s4+s2], $0x6480, $0x38;
	[tilespmem:$0x19480] =	vst v63  }
0x14: {  	_ =	swait.ge [sflag:s14], $0x6480  }
0x15: {  	[sflag:s14] =	ssyncset.done $0x0  }
0x16: {  	[sflag:s14] =	ssyncadd.s32 $0xFFFF9B80  }
0x17: {  	s21 =	simm.s32 $0x0;
	v0 =	vld [tilespmem:$0xC800]  }
0x18: {  	v1 =	vld [tilespmem:s21+$0x0]  }
0x19: {  	s20 =	simm.s32 $0x200;
	v2 =	vld [tilespmem:s21+$0x6400]  }
.LBB2_2:
0x1a: {  	_ = 	snop  }
0x1b: {  	p0 =	sne.s32 s20, $0x18E00  }
.Ltmp0:
0x1c: {  	_ = 	snop;
	(pc) =	sbr.rel @p0 .LBB2_2-.Ltmp0, $4  }
0x1d: {  	_ = 	snop  }
0x1e: {  	s21 =	sshra.s32 s20, $0x2;
	v3 =	vmul.f32 v2, v1  }
0x1f: {  	v1 =	vld [tilespmem:s21+$0x0]  }
0x20: {  	s20 =	sadd.s32 $0x200, s20;
	v2 =	vld [tilespmem:s21+$0x6400];
	v0 =	vadd.f32 v3, v0  }
0x21: {  	_ =	sdelay $0x3  }
0x22: {  	v1 =	vmul.f32 v2, v1;
	_ =	sdelay $0x1  }
0x23: {  	v0 =	vadd.f32 v1, v0;
	_ =	sdelay $0x1  }
0x24: {  	s21 =	simm.s32 $0x0;
	[tilespmem:$0xCC00] =	vst v0;
	v0 =	vld [tilespmem:$0xC800]  }
0x25: {  	v1 =	vld [tilespmem:s21+$0x10]  }
0x26: {  	s20 =	simm.s32 $0x200;
	v2 =	vld [tilespmem:s21+$0x6400]  }
.LBB2_4:
0x27: {  	_ = 	snop  }
0x28: {  	p0 =	sne.s32 s20, $0x18E00  }
.Ltmp1:
0x29: {  	_ = 	snop;
	(pc) =	sbr.rel @p0 .LBB2_4-.Ltmp1, $4  }
0x2a: {  	_ = 	snop  }
0x2b: {  	s21 =	sshra.s32 s20, $0x2;
	v3 =	vmul.f32 v2, v1  }
0x2c: {  	v1 =	vld [tilespmem:s21+$0x10]  }
0x2d: {  	s20 =	sadd.s32 $0x200, s20;
	v2 =	vld [tilespmem:s21+$0x6400];
	v0 =	vadd.f32 v3, v0  }
0x2e: {  	_ =	sdelay $0x3  }
0x2f: {  	v1 =	vmul.f32 v2, v1;
	_ =	sdelay $0x1  }
0x30: {  	v0 =	vadd.f32 v1, v0;
	_ =	sdelay $0x1  }
0x31: {  	s21 =	simm.s32 $0x0;
	[tilespmem:$0xCC10] =	vst v0;
	v0 =	vld [tilespmem:$0xC800]  }
0x32: {  	v1 =	vld [tilespmem:s21+$0x20]  }
0x33: {  	s20 =	simm.s32 $0x200;
	v2 =	vld [tilespmem:s21+$0x6400]  }
.LBB2_6:
0x34: {  	_ = 	snop  }
0x35: {  	p0 =	sne.s32 s20, $0x18E00  }
.Ltmp2:
0x36: {  	_ = 	snop;
	(pc) =	sbr.rel @p0 .LBB2_6-.Ltmp2, $4  }
0x37: {  	_ = 	snop  }
0x38: {  	s21 =	sshra.s32 s20, $0x2;
	v3 =	vmul.f32 v2, v1  }
0x39: {  	v1 =	vld [tilespmem:s21+$0x20]  }
0x3a: {  	s20 =	sadd.s32 $0x200, s20;
	v2 =	vld [tilespmem:s21+$0x6400];
	v0 =	vadd.f32 v3, v0  }
0x3b: {  	_ =	sdelay $0x3  }
0x3c: {  	v1 =	vmul.f32 v2, v1;
	_ =	sdelay $0x1  }
0x3d: {  	v0 =	vadd.f32 v1, v0;
	_ =	sdelay $0x1  }
0x3e: {  	s21 =	simm.s32 $0x0;
	[tilespmem:$0xCC20] =	vst v0;
	v0 =	vld [tilespmem:$0xC800]  }
0x3f: {  	v1 =	vld [tilespmem:s21+$0x30]  }
0x40: {  	s20 =	simm.s32 $0x200;
	v2 =	vld [tilespmem:s21+$0x6400]  }
.LBB2_8:
0x41: {  	_ = 	snop  }
0x42: {  	p0 =	sne.s32 s20, $0x18E00  }
.Ltmp3:
0x43: {  	_ = 	snop;
	(pc) =	sbr.rel @p0 .LBB2_8-.Ltmp3, $4  }
0x44: {  	_ = 	snop  }
0x45: {  	s21 =	sshra.s32 s20, $0x2;
	v3 =	vmul.f32 v2, v1  }
0x46: {  	v1 =	vld [tilespmem:s21+$0x30]  }
0x47: {  	s20 =	sadd.s32 $0x200, s20;
	v2 =	vld [tilespmem:s21+$0x6400];
	v0 =	vadd.f32 v3, v0  }
0x48: {  	_ =	sdelay $0x3  }
0x49: {  	v1 =	vmul.f32 v2, v1;
	_ =	sdelay $0x1  }
0x4a: {  	v0 =	vadd.f32 v1, v0;
	_ =	sdelay $0x1  }
0x4b: {  	s21 =	simm.s32 $0x0;
	[tilespmem:$0xCC30] =	vst v0;
	v0 =	vld [tilespmem:$0xC800]  }
0x4c: {  	v1 =	vld [tilespmem:s21+$0x40]  }
0x4d: {  	s20 =	simm.s32 $0x200;
	v2 =	vld [tilespmem:s21+$0x6400]  }
.LBB2_10:
0x4e: {  	_ = 	snop  }
0x4f: {  	p0 =	sne.s32 s20, $0x18E00  }
.Ltmp4:
0x50: {  	_ = 	snop;
	(pc) =	sbr.rel @p0 .LBB2_10-.Ltmp4, $4  }
0x51: {  	_ = 	snop  }
0x52: {  	s21 =	sshra.s32 s20, $0x2;
	v3 =	vmul.f32 v2, v1  }
0x53: {  	v1 =	vld [tilespmem:s21+$0x40]  }
0x54: {  	s20 =	sadd.s32 $0x200, s20;
	v2 =	vld [tilespmem:s21+$0x6400];
	v0 =	vadd.f32 v3, v0  }
0x55: {  	_ =	sdelay $0x3  }
0x56: {  	v1 =	vmul.f32 v2, v1;
	_ =	sdelay $0x1  }
0x57: {  	v0 =	vadd.f32 v1, v0;
	_ =	sdelay $0x1  }
0x58: {  	s21 =	simm.s32 $0x0;
	[tilespmem:$0xCC40] =	vst v0;
	v0 =	vld [tilespmem:$0xC800]  }
0x59: {  	v1 =	vld [tilespmem:s21+$0x50]  }
0x5a: {  	s20 =	simm.s32 $0x200;
	v2 =	vld [tilespmem:s21+$0x6400]  }
.LBB2_12:
0x5b: {  	_ = 	snop  }
0x5c: {  	p0 =	sne.s32 s20, $0x18E00  }
.Ltmp5:
0x5d: {  	_ = 	snop;
	(pc) =	sbr.rel @p0 .LBB2_12-.Ltmp5, $4  }
0x5e: {  	_ = 	snop  }
0x5f: {  	s21 =	sshra.s32 s20, $0x2;
	v3 =	vmul.f32 v2, v1  }
0x60: {  	v1 =	vld [tilespmem:s21+$0x50]  }
0x61: {  	s20 =	sadd.s32 $0x200, s20;
	v2 =	vld [tilespmem:s21+$0x6400];
	v0 =	vadd.f32 v3, v0  }
0x62: {  	_ =	sdelay $0x3  }
0x63: {  	v1 =	vmul.f32 v2, v1;
	_ =	sdelay $0x1  }
0x64: {  	v0 =	vadd.f32 v1, v0;
	_ =	sdelay $0x1  }
0x65: {  	s21 =	simm.s32 $0x0;
	[tilespmem:$0xCC50] =	vst v0;
	v0 =	vld [tilespmem:$0xC800]  }
0x66: {  	v1 =	vld [tilespmem:s21+$0x60]  }
0x67: {  	s20 =	simm.s32 $0x200;
	v2 =	vld [tilespmem:s21+$0x6400]  }
.LBB2_14:
0x68: {  	_ = 	snop  }
0x69: {  	p0 =	sne.s32 s20, $0x18E00  }
.Ltmp6:
0x6a: {  	_ = 	snop;
	(pc) =	sbr.rel @p0 .LBB2_14-.Ltmp6, $4  }
0x6b: {  	_ = 	snop  }
0x6c: {  	s21 =	sshra.s32 s20, $0x2;
	v3 =	vmul.f32 v2, v1  }
0x6d: {  	v1 =	vld [tilespmem:s21+$0x60]  }
0x6e: {  	s20 =	sadd.s32 $0x200, s20;
	v2 =	vld [tilespmem:s21+$0x6400];
	v0 =	vadd.f32 v3, v0  }
0x6f: {  	_ =	sdelay $0x3  }
0x70: {  	v1 =	vmul.f32 v2, v1;
	_ =	sdelay $0x1  }
0x71: {  	v0 =	vadd.f32 v1, v0;
	_ =	sdelay $0x1  }
0x72: {  	s20 =	simm.s32 $0x0;
	[tilespmem:$0xCC60] =	vst v0  }
0x73: {  	[tilespmem:s16], [sflag:$0x1] =	stream.linear.gather [hbm4b:s5+s20], $0x6400, $0x38;
	[tilespmem:$0x19480] =	vst v63  }
0x74: {  	_ =	swait.ge [sflag:s14], $0x6400  }
0x75: {  	[sflag:s14] =	ssyncset.done $0x0  }
0x76: {  	s20 =	simm.s32 $0x0;
	[sflag:s14] =	ssyncadd.s32 $0xFFFF9C00  }
0x77: {  	v0 =	vld [tilespmem:s20+$0xCC80];
	_ =	sdelay $0x7  }
0x78: {  	s21 =	simm.s32 $0x10;
	s22 =	simm.s32 $0x80;
	v0 =	vld.idx.msk [tilespmem:v0+s17+$0x0], $0xffff  }
.LBB2_16:
0x79: {  	p0 =	sne.s32 s22, $0x18FC0;
	v1 =	vld [tilespmem:s21+$0xCC80];
	_ =	sdelay $0x3  }
.Ltmp7:
0x7a: {  	(pc) =	sbr.rel @p0 .LBB2_16-.Ltmp7, $2  }
0x7b: {  	[tilespmem:s20+$0x13080] =	vst v0;
	s20 =	smov.u32 s21;
	_ =	sdelay $0x2  }
0x7c: {  	s21 =	sshra.s32 s22, $0x2;
	s22 =	sadd.s32 $0x40, s22;
	v0 =	vld.idx.msk [tilespmem:v1+s17+$0x0], $0xffff  }
0x7d: {  	v1 =	vld [tilespmem:s21+$0xCC80];
	_ =	sdelay $0x6  }
0x7e: {  	[tilespmem:s20+$0x13080] =	vst v0  }
0x7f: {  	v0 =	vld.idx.msk [tilespmem:v1+s17+$0x0], $0xffff;
	_ =	sdelay $0x4  }
0x80: {  	s31 =	simm.s32 $0x0;
	[tilespmem:s21+$0x13080] =	vst v0  }
0x81: {  	[hbm4b:s6+s31] =	stream.linear.scatter [tilespmem:s18], [sflag:$0x1], $0x6400, $0x38;
	[tilespmem:$0x19480] =	vst v63  }
0x82: {  	_ =	swait.ge [sflag:s14], $0x6400  }
0x83: {  	[sflag:s14] =	ssyncset.done $0x0  }
0x84: {  	[sflag:s14] =	ssyncadd.s32 $0xFFFF9C00  }
0x85: {  	[tilespmem:s16], [sflag:$0x1] =	stream.linear.gather [hbm4b:s7+s31], $0x6400, $0x38;
	[tilespmem:$0x19480] =	vst v63  }
0x86: {  	_ =	swait.ge [sflag:s14], $0x6400  }
0x87: {  	[sflag:s14] =	ssyncset.done $0x0  }
0x88: {  	s20 =	simm.s32 $0x0;
	[sflag:s14] =	ssyncadd.s32 $0xFFFF9C00  }
0x89: {  	v0 =	vld [tilespmem:s20+$0xCC80];
	_ =	sdelay $0x7  }
0x8a: {  	s22 =	simm.s32 $0x80;
	s21 =	simm.s32 $0x10;
	v0 =	vld.idx.msk [tilespmem:v0+s17+$0x0], $0xffff  }
.LBB2_18:
0x8b: {  	p0 =	sne.s32 s22, $0x18FC0;
	v1 =	vld [tilespmem:s21+$0xCC80];
	_ =	sdelay $0x3  }
.Ltmp8:
0x8c: {  	(pc) =	sbr.rel @p0 .LBB2_18-.Ltmp8, $2  }
0x8d: {  	[tilespmem:s20+$0x13080] =	vst v0;
	s20 =	smov.u32 s21;
	_ =	sdelay $0x2  }
0x8e: {  	s21 =	sshra.s32 s22, $0x2;
	s22 =	sadd.s32 $0x40, s22;
	v0 =	vld.idx.msk [tilespmem:v1+s17+$0x0], $0xffff  }
0x8f: {  	v1 =	vld [tilespmem:s21+$0xCC80];
	_ =	sdelay $0x6  }
0x90: {  	[tilespmem:s20+$0x13080] =	vst v0  }
0x91: {  	v0 =	vld.idx.msk [tilespmem:v1+s17+$0x0], $0xffff;
	_ =	sdelay $0x4  }
0x92: {  	s31 =	simm.s32 $0x0;
	[tilespmem:s21+$0x13080] =	vst v0  }
0x93: {  	[hbm4b:s8+s31] =	stream.linear.scatter [tilespmem:s18], [sflag:$0x1], $0x6400, $0x38;
	[tilespmem:$0x19480] =	vst v63  }
0x94: {  	_ =	swait.ge [sflag:s14], $0x6400  }
0x95: {  	[sflag:s14] =	ssyncset.done $0x0  }
0x96: {  	[sflag:s14] =	ssyncadd.s32 $0xFFFF9C00  }
0x97: {  	[tilespmem:s16], [sflag:$0x1] =	stream.linear.gather [hbm4b:s9+s31], $0x6400, $0x38;
	[tilespmem:$0x19480] =	vst v63  }
0x98: {  	_ =	swait.ge [sflag:s14], $0x6400  }
0x99: {  	[sflag:s14] =	ssyncset.done $0x0  }
0x9a: {  	s20 =	simm.s32 $0x0;
	[sflag:s14] =	ssyncadd.s32 $0xFFFF9C00  }
0x9b: {  	v0 =	vld [tilespmem:s20+$0xCC80];
	_ =	sdelay $0x7  }
0x9c: {  	s22 =	simm.s32 $0x80;
	s21 =	simm.s32 $0x10;
	v0 =	vld.idx.msk [tilespmem:v0+s17+$0x0], $0xffff  }
.LBB2_20:
0x9d: {  	p0 =	sne.s32 s22, $0x18FC0;
	v1 =	vld [tilespmem:s21+$0xCC80];
	_ =	sdelay $0x3  }
.Ltmp9:
0x9e: {  	(pc) =	sbr.rel @p0 .LBB2_20-.Ltmp9, $2  }
0x9f: {  	[tilespmem:s20+$0x13080] =	vst v0;
	s20 =	smov.u32 s21;
	_ =	sdelay $0x2  }
0xa0: {  	s21 =	sshra.s32 s22, $0x2;
	s22 =	sadd.s32 $0x40, s22;
	v0 =	vld.idx.msk [tilespmem:v1+s17+$0x0], $0xffff  }
0xa1: {  	v1 =	vld [tilespmem:s21+$0xCC80];
	_ =	sdelay $0x6  }
0xa2: {  	[tilespmem:s20+$0x13080] =	vst v0  }
0xa3: {  	v0 =	vld.idx.msk [tilespmem:v1+s17+$0x0], $0xffff;
	_ =	sdelay $0x4  }
0xa4: {  	s31 =	simm.s32 $0x0;
	[tilespmem:s21+$0x13080] =	vst v0  }
0xa5: {  	[hbm4b:s10+s31] =	stream.linear.scatter [tilespmem:s18], [sflag:$0x1], $0x6400, $0x38;
	[tilespmem:$0x19480] =	vst v63  }
0xa6: {  	_ =	swait.ge [sflag:s14], $0x6400  }
0xa7: {  	[sflag:s14] =	ssyncset.done $0x0  }
0xa8: {  	[sflag:s14] =	ssyncadd.s32 $0xFFFF9C00  }
0xa9: {  	[tilespmem:s16], [sflag:$0x1] =	stream.linear.gather [hbm4b:s11+s31], $0x6400, $0x38;
	[tilespmem:$0x19480] =	vst v63  }
0xaa: {  	_ =	swait.ge [sflag:s14], $0x6400  }
0xab: {  	[sflag:s14] =	ssyncset.done $0x0  }
0xac: {  	s20 =	simm.s32 $0x0;
	[sflag:s14] =	ssyncadd.s32 $0xFFFF9C00  }
0xad: {  	v0 =	vld [tilespmem:s20+$0xCC80];
	_ =	sdelay $0x7  }
0xae: {  	s22 =	simm.s32 $0x80;
	s21 =	simm.s32 $0x10;
	v0 =	vld.idx.msk [tilespmem:v0+s17+$0x0], $0xffff  }
.LBB2_22:
0xaf: {  	p0 =	sne.s32 s22, $0x18FC0;
	v1 =	vld [tilespmem:s21+$0xCC80];
	_ =	sdelay $0x3  }
.Ltmp10:
0xb0: {  	(pc) =	sbr.rel @p0 .LBB2_22-.Ltmp10, $2  }
0xb1: {  	[tilespmem:s20+$0x13080] =	vst v0;
	s20 =	smov.u32 s21;
	_ =	sdelay $0x2  }
0xb2: {  	s21 =	sshra.s32 s22, $0x2;
	s22 =	sadd.s32 $0x40, s22;
	v0 =	vld.idx.msk [tilespmem:v1+s17+$0x0], $0xffff  }
0xb3: {  	v1 =	vld [tilespmem:s21+$0xCC80];
	_ =	sdelay $0x6  }
0xb4: {  	[tilespmem:s20+$0x13080] =	vst v0  }
0xb5: {  	v0 =	vld.idx.msk [tilespmem:v1+s17+$0x0], $0xffff;
	_ =	sdelay $0x2  }
0xb6: {  	s19 =	sadd.s32 $0x1, s19  }
0xb7: {  	p0 =	sne.s32 s19, s13  }
.Ltmp11:
0xb8: {  	[tilespmem:s21+$0x13080] =	vst v0;
	(pc) =	sbr.rel @p0 .LBB2_1-.Ltmp11, $4  }
0xb9: {  	[hbm4b:s12+s2] =	stream.linear.scatter [tilespmem:s18], [sflag:$0x1], $0x6400, $0x38;
	[tilespmem:$0x19480] =	vst v63  }
0xba: {  	_ =	swait.ge [sflag:s14], $0x6400  }
0xbb: {  	[sflag:s14] =	ssyncset.done $0x0  }
0xbc: {  	[sflag:s14] =	ssyncadd.s32 $0xFFFF9C00  }
0xbd: {  	_ =	sfence.sel $0x180000  }
0xbe: {  	[bflag:$0x0] =	sbarrier.arrive $0xFFFF  }
0xbf: {  	p0 =	sne.s32 s1, $0x0;
	_ =	strace $0x90000047  }
0xc0: {  	s0 =	sadd.s32 @!p0 $0x100000, s0;
	[bflag:$0x2] =	sbarrier.arrive $0xFFFF  }
0xc1: {  	[sflag:s0] =	ssyncadd.tile.s32 @!p0 $0x1;
	_ =	shalt  }
.Lfunc_end2:
_tile_overlayer_lowered:
.L_overlay_start_2:
0xc2: {  	(tag) =	ssettag $0x2  }
0xc3: {  	s0 =	rddreg [dreg:$0x0];
	s2 =	stileid.u32  }
0xc4: {  	s1 =	rddreg [dreg:$0x1];
	p0 =	sne.s32 s2, $0x0  }
0xc5: {  	s3 =	rddreg [dreg:$0x2];
	[bflag:$0x3] =	sbarrier.arrive $0xFFFF;
	s2 =	simm.s32 @!p0 $0x1C01  }
0xc6: {  	[timem:s3], [sflag:s2] =	dma.local @!p0 [hbm:s0], s1  }
0xc7: {  	s0 =	simm.s32 @!p0 $0x1  }
0xc8: {  	_ =	swait.ge @!p0 [sflag:s0], s1  }
0xc9: {  	s1 =	ssub.s32 @!p0 $0x0, s1;
	[sflag:s0] =	ssyncset.done @!p0 $0x0  }
0xca: {  	[sflag:s0] =	ssyncadd.s32 @!p0 s1  }
0xcb: {  	[bflag:$0x3] =	sbarrier.arrive $0xFFFF  }
0xcc: {  	_ =	shalt  }

</sc_bundles>
